<compile_context>
chip_gen: v7x
topology: tpu7x:2x2x1
jax: 0.10.2.dev20260603
libtpu: 0.0.44.dev20260713+nightly
codegen_flags: <defaults>
</compile_context>

<pallas_src>
import functools

import jax
import jax.numpy as jnp
from jax.experimental import pallas as pl
from jax.experimental.pallas import tpu as pltpu

TOP_K = 2
BM = 128


def _router_kernel(x_ref, gw_ref, i0_ref, i1_ref, w0_ref, w1_ref, psum_ref,
                   acc_ref):
    g = pl.program_id(0)
    logits = jax.lax.dot_general(
        x_ref[...].astype(jnp.bfloat16), gw_ref[...].astype(jnp.bfloat16),
        (((1,), (0,)), ((), ())),
        preferred_element_type=jnp.float32)
    m1 = jnp.max(logits, axis=-1, keepdims=True)
    i1 = jnp.argmax(logits, axis=-1).astype(jnp.int32)[:, None]
    lane = jax.lax.broadcasted_iota(jnp.int32, logits.shape, 1)
    masked = jnp.where(lane == i1, -jnp.inf, logits)
    m2 = jnp.max(masked, axis=-1, keepdims=True)
    i2 = jnp.argmax(masked, axis=-1).astype(jnp.int32)[:, None]
    e2 = jnp.exp(m2 - m1)
    i0_ref[...] = i1
    i1_ref[...] = i2
    w0_ref[...] = 1.0 / (1.0 + e2)
    w1_ref[...] = e2 / (1.0 + e2)
    p = jnp.exp(logits - m1)
    p = p / jnp.sum(p, axis=-1, keepdims=True)

    @pl.when(g == 0)
    def _():
        acc_ref[...] = jnp.zeros_like(acc_ref)

    acc_ref[...] += jnp.sum(p, axis=0, keepdims=True)

    @pl.when(g == pl.num_programs(0) - 1)
    def _():
        psum_ref[...] = acc_ref[...]


def _ffn_kernel(sp_ref, xb_ref, tok_ref, wcol_ref, wg_hbm, wu_hbm, wd_hbm,
                y_ref, wg_v, wu_v, wd_v, sems, *, nb, t):
    g = pl.program_id(0)
    e = sp_ref[g]
    e_prev = sp_ref[jnp.maximum(g - 1, 0)]
    nvalid = sp_ref[nb]

    @pl.when((g == 0) | (e != e_prev))
    def _():
        c1 = pltpu.make_async_copy(wg_hbm.at[e], wg_v, sems.at[0])
        c2 = pltpu.make_async_copy(wu_hbm.at[e], wu_v, sems.at[1])
        c3 = pltpu.make_async_copy(wd_hbm.at[e], wd_v, sems.at[2])
        c1.start()
        c2.start()
        c3.start()
        c1.wait()
        c2.wait()
        c3.wait()

    @pl.when(g < nvalid)
    def _():
        tok = tok_ref[...]
        col = jax.lax.broadcasted_iota(jnp.int32, (BM, t), 1)
        oh = jnp.where(col == tok, 1.0, 0.0).astype(jnp.bfloat16)
        xs = jax.lax.dot_general(
            oh, xb_ref[...], (((1,), (0,)), ((), ())),
            preferred_element_type=jnp.float32).astype(jnp.bfloat16)
        g1 = jax.lax.dot_general(xs, wg_v[...], (((1,), (0,)), ((), ())),
                                 preferred_element_type=jnp.float32)
        g2 = jax.lax.dot_general(xs, wu_v[...], (((1,), (0,)), ((), ())),
                                 preferred_element_type=jnp.float32)
        h = (g1 * jax.nn.sigmoid(g1) * g2).astype(jnp.bfloat16)
        y = jax.lax.dot_general(h, wd_v[...], (((1,), (0,)), ((), ())),
                                preferred_element_type=jnp.float32)
        y_ref[...] = (y * wcol_ref[...]).astype(jnp.bfloat16)


def _combine_kernel(p0_ref, p1_ref, y_ref, o_ref, *, a_pad):
    p0 = p0_ref[...]
    p1 = p1_ref[...]
    bmc = p0.shape[0]
    col = jax.lax.broadcasted_iota(jnp.int32, (bmc, a_pad), 1)
    oh = ((col == p0) | (col == p1)).astype(jnp.bfloat16)
    o_ref[...] = jax.lax.dot_general(
        oh, y_ref[...], (((1,), (0,)), ((), ())),
        preferred_element_type=jnp.float32)


def kernel(x, gate_w, w_gate, w_up, w_down):
    b, s, d = x.shape
    e_num = gate_w.shape[1]
    f = w_gate.shape[2]
    t = b * s
    a = t * TOP_K
    a_pad = a + e_num * BM
    nb = a_pad // BM

    xf = x.reshape(t, d)
    xb = xf.astype(jnp.bfloat16)
    wg = w_gate.astype(jnp.bfloat16)
    wu = w_up.astype(jnp.bfloat16)
    wd = w_down.astype(jnp.bfloat16)

    bmr = min(512, t)
    i0, i1, w0, w1, psum = pl.pallas_call(
        _router_kernel,
        grid=(t // bmr,),
        in_specs=[
            pl.BlockSpec((bmr, d), lambda g: (g, 0)),
            pl.BlockSpec((d, e_num), lambda g: (0, 0)),
        ],
        out_specs=[
            pl.BlockSpec((bmr, 1), lambda g: (g, 0)),
            pl.BlockSpec((bmr, 1), lambda g: (g, 0)),
            pl.BlockSpec((bmr, 1), lambda g: (g, 0)),
            pl.BlockSpec((bmr, 1), lambda g: (g, 0)),
            pl.BlockSpec((1, e_num), lambda g: (0, 0)),
        ],
        out_shape=[
            jax.ShapeDtypeStruct((t, 1), jnp.int32),
            jax.ShapeDtypeStruct((t, 1), jnp.int32),
            jax.ShapeDtypeStruct((t, 1), jnp.float32),
            jax.ShapeDtypeStruct((t, 1), jnp.float32),
            jax.ShapeDtypeStruct((1, e_num), jnp.float32),
        ],
        scratch_shapes=[pltpu.VMEM((1, e_num), jnp.float32)],
        compiler_params=pltpu.CompilerParams(
            dimension_semantics=("arbitrary",)),
    )(xf, gate_w)

    idx = jnp.concatenate([i0, i1], axis=1)
    rw = jnp.concatenate([w0, w1], axis=1)
    e_a = idx.reshape(-1)
    onehot = (e_a[:, None] == jnp.arange(e_num, dtype=jnp.int32)[None, :])
    cum = jnp.cumsum(onehot.astype(jnp.int32), axis=0)
    rank = jnp.take_along_axis(cum, e_a[:, None], axis=1)[:, 0] - 1
    counts = cum[-1]
    padded = ((counts + BM - 1) // BM) * BM
    ends = jnp.cumsum(padded)
    offsets = ends - padded
    pos = (offsets[e_a] + rank).astype(jnp.int32)
    tok = (jnp.arange(a, dtype=jnp.int32) // TOP_K)
    tok_of_pos = jnp.zeros((a_pad,), jnp.int32).at[pos].set(tok)
    w_of_pos = jnp.zeros((a_pad,), jnp.float32).at[pos].set(rw.reshape(-1))
    nvalid = (ends[-1] // BM).astype(jnp.int32)
    blk_start = jnp.arange(nb, dtype=jnp.int32) * BM
    block_expert = jnp.searchsorted(ends, blk_start, side='right')
    block_expert = jnp.minimum(block_expert, e_num - 1).astype(jnp.int32)
    sp = jnp.concatenate([block_expert, nvalid[None]])

    grid_spec = pltpu.PrefetchScalarGridSpec(
        num_scalar_prefetch=1,
        grid=(nb,),
        in_specs=[
            pl.BlockSpec((t, d), lambda g, sp_: (0, 0)),
            pl.BlockSpec((BM, 1), lambda g, sp_: (g, 0)),
            pl.BlockSpec((BM, 1), lambda g, sp_: (g, 0)),
            pl.BlockSpec(memory_space=pl.ANY),
            pl.BlockSpec(memory_space=pl.ANY),
            pl.BlockSpec(memory_space=pl.ANY),
        ],
        out_specs=pl.BlockSpec((BM, d), lambda g, sp_: (g, 0)),
        scratch_shapes=[
            pltpu.VMEM((d, f), jnp.bfloat16),
            pltpu.VMEM((d, f), jnp.bfloat16),
            pltpu.VMEM((f, d), jnp.bfloat16),
            pltpu.SemaphoreType.DMA((3,)),
        ],
    )
    y = pl.pallas_call(
        functools.partial(_ffn_kernel, nb=nb, t=t),
        grid_spec=grid_spec,
        out_shape=jax.ShapeDtypeStruct((a_pad, d), jnp.bfloat16),
        compiler_params=pltpu.CompilerParams(
            dimension_semantics=("arbitrary",)),
    )(sp, xb, tok_of_pos[:, None], w_of_pos[:, None], wg, wu, wd)

    bmc = min(512, t)
    p0 = pos[0::TOP_K][:, None]
    p1 = pos[1::TOP_K][:, None]
    out = pl.pallas_call(
        functools.partial(_combine_kernel, a_pad=a_pad),
        grid=(t // bmc,),
        in_specs=[
            pl.BlockSpec((bmc, 1), lambda g: (g, 0)),
            pl.BlockSpec((bmc, 1), lambda g: (g, 0)),
            pl.BlockSpec((a_pad, d), lambda g: (0, 0)),
        ],
        out_specs=pl.BlockSpec((bmc, d), lambda g: (g, 0)),
        out_shape=jax.ShapeDtypeStruct((t, d), jnp.float32),
    )(p0, p1, y)

    output = out.reshape(b, s, d)
    probs_mean = psum[0] / t
    frac = counts.astype(jnp.float32) / a
    aux = jnp.sum(probs_mean * frac) * e_num
    return output, aux

# --- scband reference (transcript-rebuilt; emitter-appended) ---
"""Pipeline reference for scband-mo-elayer-21835613733541 (READ-ONLY COPY).

The authoritative reference and input builder live on the scoring server;
editing this copy changes nothing except your own understanding.
"""

import jax, jax.numpy as jnp
import numpy as np

B = 2
S = 2048
D_MODEL = 1024
D_FF = 4096
E = 8
TOP_K = 2


def setup_inputs(seed: int = 0) -> dict:
    key = jax.random.key(seed)
    ks = jax.random.split(key, 5)
    x = jax.random.normal(ks[0], (B, S, D_MODEL), dtype=jnp.float32)
    gate_w = jax.random.normal(ks[1], (D_MODEL, E), dtype=jnp.float32) * 0.02
    w_gate = jax.random.normal(ks[2], (E, D_MODEL, D_FF), dtype=jnp.float32) * 0.02
    w_up = jax.random.normal(ks[3], (E, D_MODEL, D_FF), dtype=jnp.float32) * 0.02
    w_down = jax.random.normal(ks[4], (E, D_FF, D_MODEL), dtype=jnp.float32) * 0.02
    return {"x": x, "gate_w": gate_w, "w_gate": w_gate, "w_up": w_up, "w_down": w_down}


def reference(x, gate_w, w_gate, w_up, w_down):
    # Router (eval mode: noise_std effectively disabled, dropout=0)
    b, s, d = x.shape
    router_logits = jnp.einsum('bsd,de->bse', x, gate_w)
    routing_weights, expert_indices = jax.lax.top_k(router_logits, TOP_K)
    routing_weights = jax.nn.softmax(routing_weights, axis=-1)

    x_flat = x.reshape(-1, d)
    t = x_flat.shape[0]
    idx_flat = expert_indices.reshape(-1, TOP_K)
    rw_flat = routing_weights.reshape(-1, TOP_K)

    # Dense per-token per-expert weight matrix (top-k indices are unique per token,
    # so scatter-add matches the torch overwrite semantics)
    weights_dense = jnp.zeros((t, E), dtype=x.dtype).at[
        jnp.arange(t)[:, None], idx_flat
    ].add(rw_flat)

    out_flat = jnp.zeros_like(x_flat)
    for e in range(E):
        # SwiGLU expert FFN: W_down(silu(x W_gate) * (x W_up))
        h = jax.nn.silu(x_flat @ w_gate[e]) * (x_flat @ w_up[e])
        y = h @ w_down[e]
        out_flat = out_flat + weights_dense[:, e:e + 1] * y

    output = out_flat.reshape(b, s, d)

    # Auxiliary load-balancing loss
    router_probs = jax.nn.softmax(router_logits, axis=-1)
    expert_probs = router_probs.mean(axis=(0, 1))
    expert_counts = jnp.bincount(idx_flat.reshape(-1), length=E).astype(x.dtype)
    expert_fraction = expert_counts / (t * TOP_K)
    aux_loss = (expert_probs * expert_fraction).sum() * E
    return (output, aux_loss)

if __name__ == "__main__":
    import jax
    _d = setup_inputs()
    print(jax.jit(kernel)(*tuple(_d.values())))

</pallas_src>

<mosaic_0001>
module attributes {stable_mosaic.version = 14 : i64} {
  func.func @_router_kernel(%arg0: i32, %arg1: memref<512x1024xf32, #tpu.memory_space<vmem>>, %arg2: memref<1024x8xf32, #tpu.memory_space<vmem>>, %arg3: memref<512x1xi32, #tpu.memory_space<vmem>>, %arg4: memref<512x1xi32, #tpu.memory_space<vmem>>, %arg5: memref<512x1xf32, #tpu.memory_space<vmem>>, %arg6: memref<512x1xf32, #tpu.memory_space<vmem>>, %arg7: memref<1x8xf32, #tpu.memory_space<vmem>>, %arg8: memref<1x8xf32, #tpu.memory_space<vmem>>) attributes {dimension_semantics = [#tpu.dimension_semantics<arbitrary>], iteration_bounds = array<i64: 8>, scalar_prefetch = 0 : i64, scratch_operands = 1 : i64, tpu.core_type = #tpu.core_type<tc>, window_params = [{transform_indices = @transform_0, window_bounds = array<i64: 512, 1024>}, {pipeline_mode = #tpu.pipeline_mode<synchronous>, transform_indices = @transform_1, window_bounds = array<i64: 1024, 8>}, {transform_indices = @transform_2, window_bounds = array<i64: 512, 1>}, {transform_indices = @transform_3, window_bounds = array<i64: 512, 1>}, {transform_indices = @transform_4, window_bounds = array<i64: 512, 1>}, {transform_indices = @transform_5, window_bounds = array<i64: 512, 1>}, {pipeline_mode = #tpu.pipeline_mode<synchronous>, transform_indices = @transform_6, window_bounds = array<i64: 1, 8>}]} {
    %get3A = arith.constant 0 : index
    %get3A_0 = arith.constant 0 : index
    %get3A_1 = vector.load %arg1[%get3A, %get3A_0] : memref<512x1024xf32, #tpu.memory_space<vmem>>, vector<512x1024xf32>
    %convert_element_type3A = arith.truncf %get3A_1 : vector<512x1024xf32> to vector<512x1024xbf16>
    %get3A_2 = arith.constant 0 : index
    %get3A_3 = arith.constant 0 : index
    %get3A_4 = vector.load %arg2[%get3A_2, %get3A_3] : memref<1024x8xf32, #tpu.memory_space<vmem>>, vector<1024x8xf32>
    %convert_element_type3A_5 = arith.truncf %get3A_4 : vector<1024x8xf32> to vector<1024x8xbf16>
    %dot_general3A = arith.constant dense<0.000000e+00> : vector<512x8xf32>
    %dot_general3A_6 = tpu.matmul %convert_element_type3A, %convert_element_type3A_5, %dot_general3A {dimension_numbers = #tpu.dot_dimension_numbers<[1], [0], [0], [1], [0, 0, 1, 1], [], []>, transpose_lhs_hint = false} : vector<512x1024xbf16>, vector<1024x8xbf16>, vector<512x8xf32> -> vector<512x8xf32>
    %reduce_max3A = arith.constant dense<0xFF800000> : vector<512xf32>
    %reduce_max3A_7 = vector.multi_reduction <maximumf>, %dot_general3A_6, %reduce_max3A [1] : vector<512x8xf32> to vector<512xf32>
    %broadcast_in_dim3A = vector.shape_cast %reduce_max3A_7 : vector<512xf32> to vector<512x1xf32>
    %argmax3A = tpu.reduce_index %dot_general3A_6 {axis = 1 : i32, kind = #tpu.reduction_kind<arg_max>} : vector<512x8xf32> -> vector<512xi32>
    %broadcast_in_dim3A_8 = vector.shape_cast %argmax3A : vector<512xi32> to vector<512x1xi32>
    %iota3A = tpu.iota {dimensions = array<i32: 1>} : vector<512x8xi32>
    %eq3A = vector.broadcast %broadcast_in_dim3A_8 : vector<512x1xi32> to vector<512x8xi32>
    %eq3A_9 = arith.cmpi eq, %iota3A, %eq3A : vector<512x8xi32>
    %jit3A = arith.constant 0xFF800000 : f32
    %broadcast_in_dim3A_10 = vector.broadcast %jit3A : f32 to vector<512x8xf32>
    %select_n3A = arith.select %eq3A_9, %broadcast_in_dim3A_10, %dot_general3A_6 : vector<512x8xi1>, vector<512x8xf32>
    %reduce_max3A_11 = arith.constant dense<0xFF800000> : vector<512xf32>
    %reduce_max3A_12 = vector.multi_reduction <maximumf>, %select_n3A, %reduce_max3A_11 [1] : vector<512x8xf32> to vector<512xf32>
    %broadcast_in_dim3A_13 = vector.shape_cast %reduce_max3A_12 : vector<512xf32> to vector<512x1xf32>
    %argmax3A_14 = tpu.reduce_index %select_n3A {axis = 1 : i32, kind = #tpu.reduction_kind<arg_max>} : vector<512x8xf32> -> vector<512xi32>
    %broadcast_in_dim3A_15 = vector.shape_cast %argmax3A_14 : vector<512xi32> to vector<512x1xi32>
    %sub3A = arith.subf %broadcast_in_dim3A_13, %broadcast_in_dim3A : vector<512x1xf32>
    %exp3A = math.exp %sub3A : vector<512x1xf32>
    %swap3A = arith.constant 0 : index
    %swap3A_16 = arith.constant 0 : index
    %swap3A_17 = vector.load %arg3[%swap3A, %swap3A_16] : memref<512x1xi32, #tpu.memory_space<vmem>>, vector<512x1xi32>
    tpu.vector_store %arg3[%swap3A, %swap3A_16], %broadcast_in_dim3A_8 {strides = array<i32>} : memref<512x1xi32, #tpu.memory_space<vmem>>, vector<512x1xi32>,
    %swap3A_18 = arith.constant 0 : index
    %swap3A_19 = arith.constant 0 : index
    %swap3A_20 = vector.load %arg4[%swap3A_18, %swap3A_19] : memref<512x1xi32, #tpu.memory_space<vmem>>, vector<512x1xi32>
    tpu.vector_store %arg4[%swap3A_18, %swap3A_19], %broadcast_in_dim3A_15 {strides = array<i32>} : memref<512x1xi32, #tpu.memory_space<vmem>>, vector<512x1xi32>,
    %add3A = arith.constant 1.000000e+00 : f32
    %add3A_21 = vector.broadcast %add3A : f32 to vector<512x1xf32>
    %add3A_22 = arith.addf %add3A_21, %exp3A : vector<512x1xf32>
    %div3A = arith.constant 1.000000e+00 : f32
    %div3A_23 = vector.broadcast %div3A : f32 to vector<512x1xf32>
    %div3A_24 = arith.divf %div3A_23, %add3A_22 : vector<512x1xf32>
    %swap3A_25 = arith.constant 0 : index
    %swap3A_26 = arith.constant 0 : index
    %swap3A_27 = vector.load %arg5[%swap3A_25, %swap3A_26] : memref<512x1xf32, #tpu.memory_space<vmem>>, vector<512x1xf32>
    tpu.vector_store %arg5[%swap3A_25, %swap3A_26], %div3A_24 {strides = array<i32>} : memref<512x1xf32, #tpu.memory_space<vmem>>, vector<512x1xf32>,
    %add3A_28 = arith.constant 1.000000e+00 : f32
    %add3A_29 = vector.broadcast %add3A_28 : f32 to vector<512x1xf32>
    %add3A_30 = arith.addf %add3A_29, %exp3A : vector<512x1xf32>
    %div3A_31 = arith.divf %exp3A, %add3A_30 : vector<512x1xf32>
    %swap3A_32 = arith.constant 0 : index
    %swap3A_33 = arith.constant 0 : index
    %swap3A_34 = vector.load %arg6[%swap3A_32, %swap3A_33] : memref<512x1xf32, #tpu.memory_space<vmem>>, vector<512x1xf32>
    tpu.vector_store %arg6[%swap3A_32, %swap3A_33], %div3A_31 {strides = array<i32>} : memref<512x1xf32, #tpu.memory_space<vmem>>, vector<512x1xf32>,
    %sub3A_35 = vector.broadcast %broadcast_in_dim3A : vector<512x1xf32> to vector<512x8xf32>
    %sub3A_36 = arith.subf %dot_general3A_6, %sub3A_35 : vector<512x8xf32>
    %exp3A_37 = math.exp %sub3A_36 : vector<512x8xf32>
    %reduce_sum3A = arith.constant dense<0.000000e+00> : vector<512xf32>
    %reduce_sum3A_38 = vector.multi_reduction <add>, %exp3A_37, %reduce_sum3A [1] : vector<512x8xf32> to vector<512xf32>
    %broadcast_in_dim3A_39 = vector.shape_cast %reduce_sum3A_38 : vector<512xf32> to vector<512x1xf32>
    %div3A_40 = vector.broadcast %broadcast_in_dim3A_39 : vector<512x1xf32> to vector<512x8xf32>
    %div3A_41 = arith.divf %exp3A_37, %div3A_40 : vector<512x8xf32>
    %eq3A_42 = arith.constant 0 : i32
    %eq3A_43 = arith.cmpi eq, %arg0, %eq3A_42 : i32
    %convert_element_type3A_44 = arith.extui %eq3A_43 : i1 to i32
    %cond3A = arith.constant 0 : i32
    %cond3A_45 = arith.cmpi ne, %convert_element_type3A_44, %cond3A : i32
    scf.if %cond3A_45 {
      %broadcast_in_dim3A_61 = arith.constant 0.000000e+00 : f32
      %broadcast_in_dim3A_62 = vector.broadcast %broadcast_in_dim3A_61 : f32 to vector<1x8xf32>
      %swap3A_63 = arith.constant 0 : index
      %swap3A_64 = arith.constant 0 : index
      %swap3A_65 = vector.load %arg8[%swap3A_63, %swap3A_64] : memref<1x8xf32, #tpu.memory_space<vmem>>, vector<1x8xf32>
      tpu.vector_store %arg8[%swap3A_63, %swap3A_64], %broadcast_in_dim3A_62 {strides = array<i32>} : memref<1x8xf32, #tpu.memory_space<vmem>>, vector<1x8xf32>,
    } else {
    }
    %get3A_46 = arith.constant 0 : index
    %get3A_47 = arith.constant 0 : index
    %get3A_48 = vector.load %arg8[%get3A_46, %get3A_47] : memref<1x8xf32, #tpu.memory_space<vmem>>, vector<1x8xf32>
    %reduce_sum3A_49 = arith.constant dense<0.000000e+00> : vector<8xf32>
    %reduce_sum3A_50 = vector.multi_reduction <add>, %div3A_41, %reduce_sum3A_49 [0] : vector<512x8xf32> to vector<8xf32>
    %broadcast_in_dim3A_51 = vector.shape_cast %reduce_sum3A_50 : vector<8xf32> to vector<1x8xf32>
    %add3A_52 = arith.addf %get3A_48, %broadcast_in_dim3A_51 : vector<1x8xf32>
    %swap3A_53 = arith.constant 0 : index
    %swap3A_54 = arith.constant 0 : index
    %swap3A_55 = vector.load %arg8[%swap3A_53, %swap3A_54] : memref<1x8xf32, #tpu.memory_space<vmem>>, vector<1x8xf32>
    tpu.vector_store %arg8[%swap3A_53, %swap3A_54], %add3A_52 {strides = array<i32>} : memref<1x8xf32, #tpu.memory_space<vmem>>, vector<1x8xf32>,
    %eq3A_56 = arith.constant 7 : i32
    %eq3A_57 = arith.cmpi eq, %arg0, %eq3A_56 : i32
    %convert_element_type3A_58 = arith.extui %eq3A_57 : i1 to i32
    %cond3A_59 = arith.constant 0 : i32
    %cond3A_60 = arith.cmpi ne, %convert_element_type3A_58, %cond3A_59 : i32
    scf.if %cond3A_60 {
      %get3A_61 = arith.constant 0 : index
      %get3A_62 = arith.constant 0 : index
      %get3A_63 = vector.load %arg8[%get3A_61, %get3A_62] : memref<1x8xf32, #tpu.memory_space<vmem>>, vector<1x8xf32>
      %swap3A_64 = arith.constant 0 : index
      %swap3A_65 = arith.constant 0 : index
      %swap3A_66 = vector.load %arg7[%swap3A_64, %swap3A_65] : memref<1x8xf32, #tpu.memory_space<vmem>>, vector<1x8xf32>
      tpu.vector_store %arg7[%swap3A_64, %swap3A_65], %get3A_63 {strides = array<i32>} : memref<1x8xf32, #tpu.memory_space<vmem>>, vector<1x8xf32>,
    } else {
    }
    return
  }
  func.func @transform_0(%arg0: i32) -> (i32, i32) {
    %c0_i32 = arith.constant 0 : i32
    %c0_i32_0 = arith.constant 0 : i32
    return %arg0, %c0_i32 : i32, i32
  }
  func.func @transform_1(%arg0: i32) -> (i32, i32) {
    %c0_i32 = arith.constant 0 : i32
    %c0_i32_0 = arith.constant 0 : i32
    %c0_i32_1 = arith.constant 0 : i32
    return %c0_i32, %c0_i32_0 : i32, i32
  }
  func.func @transform_2(%arg0: i32) -> (i32, i32) {
    %c0_i32 = arith.constant 0 : i32
    %c0_i32_0 = arith.constant 0 : i32
    return %arg0, %c0_i32 : i32, i32
  }
  func.func @transform_3(%arg0: i32) -> (i32, i32) {
    %c0_i32 = arith.constant 0 : i32
    %c0_i32_0 = arith.constant 0 : i32
    return %arg0, %c0_i32 : i32, i32
  }
  func.func @transform_4(%arg0: i32) -> (i32, i32) {
    %c0_i32 = arith.constant 0 : i32
    %c0_i32_0 = arith.constant 0 : i32
    return %arg0, %c0_i32 : i32, i32
  }
  func.func @transform_5(%arg0: i32) -> (i32, i32) {
    %c0_i32 = arith.constant 0 : i32
    %c0_i32_0 = arith.constant 0 : i32
    return %arg0, %c0_i32 : i32, i32
  }
  func.func @transform_6(%arg0: i32) -> (i32, i32) {
    %c0_i32 = arith.constant 0 : i32
    %c0_i32_0 = arith.constant 0 : i32
    %c0_i32_1 = arith.constant 0 : i32
    return %c0_i32, %c0_i32_0 : i32, i32
  }
}

module attributes {stable_mosaic.version = 14 : i64} {
  func.func @_ffn_kernel(%arg0: i32, %arg1: memref<73xi32, #tpu.memory_space<smem>>, %arg2: memref<4096x1024xbf16, #tpu.memory_space<vmem>>, %arg3: memref<128x1xi32, #tpu.memory_space<vmem>>, %arg4: memref<128x1xf32, #tpu.memory_space<vmem>>, %arg5: memref<8x1024x4096xbf16, #tpu.memory_space<any>>, %arg6: memref<8x1024x4096xbf16, #tpu.memory_space<any>>, %arg7: memref<8x4096x1024xbf16, #tpu.memory_space<any>>, %arg8: memref<128x1024xbf16, #tpu.memory_space<vmem>>, %arg9: memref<1024x4096xbf16, #tpu.memory_space<vmem>>, %arg10: memref<1024x4096xbf16, #tpu.memory_space<vmem>>, %arg11: memref<4096x1024xbf16, #tpu.memory_space<vmem>>, %arg12: memref<3x!tpu.dma_semaphore, #tpu.memory_space<semaphore_mem>>) attributes {dimension_semantics = [#tpu.dimension_semantics<arbitrary>], iteration_bounds = array<i64: 72>, scalar_prefetch = 1 : i64, scratch_operands = 4 : i64, tpu.core_type = #tpu.core_type<tc>, window_params = [{pipeline_mode = #tpu.pipeline_mode<synchronous>, transform_indices = @transform_0, window_bounds = array<i64: 4096, 1024>}, {transform_indices = @transform_1, window_bounds = array<i64: 128, 1>}, {transform_indices = @transform_2, window_bounds = array<i64: 128, 1>}, {}, {}, {}, {transform_indices = @transform_6, window_bounds = array<i64: 128, 1024>}]} {
    %get3A = arith.index_cast %arg0 : i32 to index
    %get3A_0 = memref.load %arg1[%get3A] : memref<73xi32, #tpu.memory_space<smem>>
    %sub3A = arith.constant 1 : i32
    %sub3A_1 = arith.subi %arg0, %sub3A : i32
    %max3A = arith.constant 0 : i32
    %max3A_2 = arith.maxsi %sub3A_1, %max3A : i32
    %get3A_3 = arith.index_cast %max3A_2 : i32 to index
    %get3A_4 = memref.load %arg1[%get3A_3] : memref<73xi32, #tpu.memory_space<smem>>
    %get3A_5 = arith.constant 72 : index
    %get3A_6 = memref.load %arg1[%get3A_5] : memref<73xi32, #tpu.memory_space<smem>>
    %eq3A = arith.constant 0 : i32
    %eq3A_7 = arith.cmpi eq, %arg0, %eq3A : i32
    %ne3A = arith.cmpi ne, %get3A_0, %get3A_4 : i32
    %or3A = arith.ori %eq3A_7, %ne3A : i1
    %convert_element_type3A = arith.extui %or3A : i1 to i32
    %cond3A = arith.constant 0 : i32
    %cond3A_8 = arith.cmpi ne, %convert_element_type3A, %cond3A : i32
    scf.if %cond3A_8 {
      %dma_start3A = arith.constant 0 : i32
      %dma_start3A_12 = tpu.memref_slice %arg12[%dma_start3A] : memref<3x!tpu.dma_semaphore, #tpu.memory_space<semaphore_mem>> -> memref<1x!tpu.dma_semaphore, #tpu.memory_space<semaphore_mem>>
      %dma_start3A_13 = tpu.memref_squeeze %dma_start3A_12 : memref<1x!tpu.dma_semaphore, #tpu.memory_space<semaphore_mem>> -> memref<!tpu.dma_semaphore, #tpu.memory_space<semaphore_mem>>
      %dma_start3A_14 = arith.constant 0 : i32
      %dma_start3A_15 = arith.constant 0 : i32
      %dma_start3A_16 = tpu.memref_slice %arg5[%get3A_0, %dma_start3A_14, %dma_start3A_15] : memref<8x1024x4096xbf16, #tpu.memory_space<any>> -> memref<1x1024x4096xbf16, #tpu.memory_space<any>>
      %dma_start3A_17 = tpu.memref_squeeze %dma_start3A_16 : memref<1x1024x4096xbf16, #tpu.memory_space<any>> -> memref<1024x4096xbf16, #tpu.memory_space<any>>
      tpu.enqueue_dma source(%dma_start3A_17 : memref<1024x4096xbf16, #tpu.memory_space<any>>) target(%arg9 : memref<1024x4096xbf16, #tpu.memory_space<vmem>>) target_semaphore(%dma_start3A_13 : memref<!tpu.dma_semaphore, #tpu.memory_space<semaphore_mem>>)
      %dma_start3A_18 = arith.constant 1 : i32
      %dma_start3A_19 = tpu.memref_slice %arg12[%dma_start3A_18] : memref<3x!tpu.dma_semaphore, #tpu.memory_space<semaphore_mem>> -> memref<1x!tpu.dma_semaphore, #tpu.memory_space<semaphore_mem>>
      %dma_start3A_20 = tpu.memref_squeeze %dma_start3A_19 : memref<1x!tpu.dma_semaphore, #tpu.memory_space<semaphore_mem>> -> memref<!tpu.dma_semaphore, #tpu.memory_space<semaphore_mem>>
      %dma_start3A_21 = arith.constant 0 : i32
      %dma_start3A_22 = arith.constant 0 : i32
      %dma_start3A_23 = tpu.memref_slice %arg6[%get3A_0, %dma_start3A_21, %dma_start3A_22] : memref<8x1024x4096xbf16, #tpu.memory_space<any>> -> memref<1x1024x4096xbf16, #tpu.memory_space<any>>
      %dma_start3A_24 = tpu.memref_squeeze %dma_start3A_23 : memref<1x1024x4096xbf16, #tpu.memory_space<any>> -> memref<1024x4096xbf16, #tpu.memory_space<any>>
      tpu.enqueue_dma source(%dma_start3A_24 : memref<1024x4096xbf16, #tpu.memory_space<any>>) target(%arg10 : memref<1024x4096xbf16, #tpu.memory_space<vmem>>) target_semaphore(%dma_start3A_20 : memref<!tpu.dma_semaphore, #tpu.memory_space<semaphore_mem>>)
      %dma_start3A_25 = arith.constant 2 : i32
      %dma_start3A_26 = tpu.memref_slice %arg12[%dma_start3A_25] : memref<3x!tpu.dma_semaphore, #tpu.memory_space<semaphore_mem>> -> memref<1x!tpu.dma_semaphore, #tpu.memory_space<semaphore_mem>>
      %dma_start3A_27 = tpu.memref_squeeze %dma_start3A_26 : memref<1x!tpu.dma_semaphore, #tpu.memory_space<semaphore_mem>> -> memref<!tpu.dma_semaphore, #tpu.memory_space<semaphore_mem>>
      %dma_start3A_28 = arith.constant 0 : i32
      %dma_start3A_29 = arith.constant 0 : i32
      %dma_start3A_30 = tpu.memref_slice %arg7[%get3A_0, %dma_start3A_28, %dma_start3A_29] : memref<8x4096x1024xbf16, #tpu.memory_space<any>> -> memref<1x4096x1024xbf16, #tpu.memory_space<any>>
      %dma_start3A_31 = tpu.memref_squeeze %dma_start3A_30 : memref<1x4096x1024xbf16, #tpu.memory_space<any>> -> memref<4096x1024xbf16, #tpu.memory_space<any>>
      tpu.enqueue_dma source(%dma_start3A_31 : memref<4096x1024xbf16, #tpu.memory_space<any>>) target(%arg11 : memref<4096x1024xbf16, #tpu.memory_space<vmem>>) target_semaphore(%dma_start3A_27 : memref<!tpu.dma_semaphore, #tpu.memory_space<semaphore_mem>>)
      %dma_wait3A = arith.constant 0 : i32
      %dma_wait3A_32 = tpu.memref_slice %arg12[%dma_wait3A] : memref<3x!tpu.dma_semaphore, #tpu.memory_space<semaphore_mem>> -> memref<1x!tpu.dma_semaphore, #tpu.memory_space<semaphore_mem>>
      %dma_wait3A_33 = tpu.memref_squeeze %dma_wait3A_32 : memref<1x!tpu.dma_semaphore, #tpu.memory_space<semaphore_mem>> -> memref<!tpu.dma_semaphore, #tpu.memory_space<semaphore_mem>>
      %dma_wait3A_34 = arith.constant 0 : i32
      %dma_wait3A_35 = arith.constant 0 : i32
      %dma_wait3A_36 = tpu.memref_slice %arg5[%get3A_0, %dma_wait3A_34, %dma_wait3A_35] : memref<8x1024x4096xbf16, #tpu.memory_space<any>> -> memref<1x1024x4096xbf16, #tpu.memory_space<any>>
      %dma_wait3A_37 = tpu.memref_squeeze %dma_wait3A_36 : memref<1x1024x4096xbf16, #tpu.memory_space<any>> -> memref<1024x4096xbf16, #tpu.memory_space<any>>
      tpu.wait_dma2 semaphore(%dma_wait3A_33 : memref<!tpu.dma_semaphore, #tpu.memory_space<semaphore_mem>>) src(%dma_wait3A_37 : memref<1024x4096xbf16, #tpu.memory_space<any>>) dst(%arg9 : memref<1024x4096xbf16, #tpu.memory_space<vmem>>)
      %dma_wait3A_38 = arith.constant 1 : i32
      %dma_wait3A_39 = tpu.memref_slice %arg12[%dma_wait3A_38] : memref<3x!tpu.dma_semaphore, #tpu.memory_space<semaphore_mem>> -> memref<1x!tpu.dma_semaphore, #tpu.memory_space<semaphore_mem>>
      %dma_wait3A_40 = tpu.memref_squeeze %dma_wait3A_39 : memref<1x!tpu.dma_semaphore, #tpu.memory_space<semaphore_mem>> -> memref<!tpu.dma_semaphore, #tpu.memory_space<semaphore_mem>>
      %dma_wait3A_41 = arith.constant 0 : i32
      %dma_wait3A_42 = arith.constant 0 : i32
      %dma_wait3A_43 = tpu.memref_slice %arg6[%get3A_0, %dma_wait3A_41, %dma_wait3A_42] : memref<8x1024x4096xbf16, #tpu.memory_space<any>> -> memref<1x1024x4096xbf16, #tpu.memory_space<any>>
      %dma_wait3A_44 = tpu.memref_squeeze %dma_wait3A_43 : memref<1x1024x4096xbf16, #tpu.memory_space<any>> -> memref<1024x4096xbf16, #tpu.memory_space<any>>
      tpu.wait_dma2 semaphore(%dma_wait3A_40 : memref<!tpu.dma_semaphore, #tpu.memory_space<semaphore_mem>>) src(%dma_wait3A_44 : memref<1024x4096xbf16, #tpu.memory_space<any>>) dst(%arg10 : memref<1024x4096xbf16, #tpu.memory_space<vmem>>)
      %dma_wait3A_45 = arith.constant 2 : i32
      %dma_wait3A_46 = tpu.memref_slice %arg12[%dma_wait3A_45] : memref<3x!tpu.dma_semaphore, #tpu.memory_space<semaphore_mem>> -> memref<1x!tpu.dma_semaphore, #tpu.memory_space<semaphore_mem>>
      %dma_wait3A_47 = tpu.memref_squeeze %dma_wait3A_46 : memref<1x!tpu.dma_semaphore, #tpu.memory_space<semaphore_mem>> -> memref<!tpu.dma_semaphore, #tpu.memory_space<semaphore_mem>>
      %dma_wait3A_48 = arith.constant 0 : i32
      %dma_wait3A_49 = arith.constant 0 : i32
      %dma_wait3A_50 = tpu.memref_slice %arg7[%get3A_0, %dma_wait3A_48, %dma_wait3A_49] : memref<8x4096x1024xbf16, #tpu.memory_space<any>> -> memref<1x4096x1024xbf16, #tpu.memory_space<any>>
      %dma_wait3A_51 = tpu.memref_squeeze %dma_wait3A_50 : memref<1x4096x1024xbf16, #tpu.memory_space<any>> -> memref<4096x1024xbf16, #tpu.memory_space<any>>
      tpu.wait_dma2 semaphore(%dma_wait3A_47 : memref<!tpu.dma_semaphore, #tpu.memory_space<semaphore_mem>>) src(%dma_wait3A_51 : memref<4096x1024xbf16, #tpu.memory_space<any>>) dst(%arg11 : memref<4096x1024xbf16, #tpu.memory_space<vmem>>)
    } else {
    }
    %lt3A = arith.cmpi slt, %arg0, %get3A_6 : i32
    %convert_element_type3A_9 = arith.extui %lt3A : i1 to i32
    %cond3A_10 = arith.constant 0 : i32
    %cond3A_11 = arith.cmpi ne, %convert_element_type3A_9, %cond3A_10 : i32
    scf.if %cond3A_11 {
      %get3A_12 = arith.constant 0 : index
      %get3A_13 = arith.constant 0 : index
      %get3A_14 = vector.load %arg3[%get3A_12, %get3A_13] : memref<128x1xi32, #tpu.memory_space<vmem>>, vector<128x1xi32>
      %iota3A = tpu.iota {dimensions = array<i32: 1>} : vector<128x4096xi32>
      %eq3A_15 = vector.broadcast %get3A_14 : vector<128x1xi32> to vector<128x4096xi32>
      %eq3A_16 = arith.cmpi eq, %iota3A, %eq3A_15 : vector<128x4096xi32>
      %jit3A = arith.constant 1.000000e+00 : f32
      %jit3A_17 = arith.constant 0.000000e+00 : f32
      %broadcast_in_dim3A = vector.broadcast %jit3A : f32 to vector<128x4096xf32>
      %broadcast_in_dim3A_18 = vector.broadcast %jit3A_17 : f32 to vector<128x4096xf32>
      %select_n3A = arith.select %eq3A_16, %broadcast_in_dim3A, %broadcast_in_dim3A_18 : vector<128x4096xi1>, vector<128x4096xf32>
      %convert_element_type3A_19 = arith.truncf %select_n3A : vector<128x4096xf32> to vector<128x4096xbf16>
      %get3A_20 = arith.constant 0 : index
      %get3A_21 = arith.constant 0 : index
      %get3A_22 = vector.load %arg2[%get3A_20, %get3A_21] : memref<4096x1024xbf16, #tpu.memory_space<vmem>>, vector<4096x1024xbf16>
      %dot_general3A = arith.constant dense<0.000000e+00> : vector<128x1024xf32>
      %dot_general3A_23 = tpu.matmul %convert_element_type3A_19, %get3A_22, %dot_general3A {dimension_numbers = #tpu.dot_dimension_numbers<[1], [0], [0], [1], [0, 0, 1, 1], [], []>, transpose_lhs_hint = false} : vector<128x4096xbf16>, vector<4096x1024xbf16>, vector<128x1024xf32> -> vector<128x1024xf32>
      %convert_element_type3A_24 = arith.truncf %dot_general3A_23 : vector<128x1024xf32> to vector<128x1024xbf16>
      %get3A_25 = arith.constant 0 : index
      %get3A_26 = arith.constant 0 : index
      %get3A_27 = vector.load %arg9[%get3A_25, %get3A_26] : memref<1024x4096xbf16, #tpu.memory_space<vmem>>, vector<1024x4096xbf16>
      %dot_general3A_28 = arith.constant dense<0.000000e+00> : vector<128x4096xf32>
      %dot_general3A_29 = tpu.matmul %convert_element_type3A_24, %get3A_27, %dot_general3A_28 {dimension_numbers = #tpu.dot_dimension_numbers<[1], [0], [0], [1], [0, 0, 1, 1], [], []>, transpose_lhs_hint = false} : vector<128x1024xbf16>, vector<1024x4096xbf16>, vector<128x4096xf32> -> vector<128x4096xf32>
      %get3A_30 = arith.constant 0 : index
      %get3A_31 = arith.constant 0 : index
      %get3A_32 = vector.load %arg10[%get3A_30, %get3A_31] : memref<1024x4096xbf16, #tpu.memory_space<vmem>>, vector<1024x4096xbf16>
      %dot_general3A_33 = arith.constant dense<0.000000e+00> : vector<128x4096xf32>
      %dot_general3A_34 = tpu.matmul %convert_element_type3A_24, %get3A_32, %dot_general3A_33 {dimension_numbers = #tpu.dot_dimension_numbers<[1], [0], [0], [1], [0, 0, 1, 1], [], []>, transpose_lhs_hint = false} : vector<128x1024xbf16>, vector<1024x4096xbf16>, vector<128x4096xf32> -> vector<128x4096xf32>
      %logistic3A = arith.negf %dot_general3A_29 : vector<128x4096xf32>
      %logistic3A_35 = math.exp %logistic3A : vector<128x4096xf32>
      %logistic3A_36 = arith.constant 1.000000e+00 : f32
      %logistic3A_37 = vector.broadcast %logistic3A_36 : f32 to vector<128x4096xf32>
      %logistic3A_38 = arith.addf %logistic3A_37, %logistic3A_35 : vector<128x4096xf32>
      %logistic3A_39 = arith.divf %logistic3A_37, %logistic3A_38 : vector<128x4096xf32>
      %mul3A = arith.mulf %dot_general3A_29, %logistic3A_39 : vector<128x4096xf32>
      %mul3A_40 = arith.mulf %mul3A, %dot_general3A_34 : vector<128x4096xf32>
      %convert_element_type3A_41 = arith.truncf %mul3A_40 : vector<128x4096xf32> to vector<128x4096xbf16>
      %get3A_42 = arith.constant 0 : index
      %get3A_43 = arith.constant 0 : index
      %get3A_44 = vector.load %arg11[%get3A_42, %get3A_43] : memref<4096x1024xbf16, #tpu.memory_space<vmem>>, vector<4096x1024xbf16>
      %dot_general3A_45 = arith.constant dense<0.000000e+00> : vector<128x1024xf32>
      %dot_general3A_46 = tpu.matmul %convert_element_type3A_41, %get3A_44, %dot_general3A_45 {dimension_numbers = #tpu.dot_dimension_numbers<[1], [0], [0], [1], [0, 0, 1, 1], [], []>, transpose_lhs_hint = false} : vector<128x4096xbf16>, vector<4096x1024xbf16>, vector<128x1024xf32> -> vector<128x1024xf32>
      %get3A_47 = arith.constant 0 : index
      %get3A_48 = arith.constant 0 : index
      %get3A_49 = vector.load %arg4[%get3A_47, %get3A_48] : memref<128x1xf32, #tpu.memory_space<vmem>>, vector<128x1xf32>
      %mul3A_50 = vector.broadcast %get3A_49 : vector<128x1xf32> to vector<128x1024xf32>
      %mul3A_51 = arith.mulf %dot_general3A_46, %mul3A_50 : vector<128x1024xf32>
      %convert_element_type3A_52 = arith.truncf %mul3A_51 : vector<128x1024xf32> to vector<128x1024xbf16>
      %swap3A = arith.constant 0 : index
      %swap3A_53 = arith.constant 0 : index
      %swap3A_54 = vector.load %arg8[%swap3A, %swap3A_53] : memref<128x1024xbf16, #tpu.memory_space<vmem>>, vector<128x1024xbf16>
      tpu.vector_store %arg8[%swap3A, %swap3A_53], %convert_element_type3A_52 {strides = array<i32>} : memref<128x1024xbf16, #tpu.memory_space<vmem>>, vector<128x1024xbf16>,
    } else {
    }
    return
  }
  func.func @transform_0(%arg0: i32, %arg1: memref<73xi32, #tpu.memory_space<smem>>) -> (i32, i32) {
    %c0_i32 = arith.constant 0 : i32
    %c0_i32_0 = arith.constant 0 : i32
    %c0_i32_1 = arith.constant 0 : i32
    return %c0_i32, %c0_i32_0 : i32, i32
  }
  func.func @transform_1(%arg0: i32, %arg1: memref<73xi32, #tpu.memory_space<smem>>) -> (i32, i32) {
    %c0_i32 = arith.constant 0 : i32
    %c0_i32_0 = arith.constant 0 : i32
    return %arg0, %c0_i32 : i32, i32
  }
  func.func @transform_2(%arg0: i32, %arg1: memref<73xi32, #tpu.memory_space<smem>>) -> (i32, i32) {
    %c0_i32 = arith.constant 0 : i32
    %c0_i32_0 = arith.constant 0 : i32
    return %arg0, %c0_i32 : i32, i32
  }
  func.func @transform_6(%arg0: i32, %arg1: memref<73xi32, #tpu.memory_space<smem>>) -> (i32, i32) {
    %c0_i32 = arith.constant 0 : i32
    %c0_i32_0 = arith.constant 0 : i32
    return %arg0, %c0_i32 : i32, i32
  }
}

module attributes {stable_mosaic.version = 14 : i64} {
  func.func @_combine_kernel(%arg0: i32, %arg1: memref<512x1xi32, #tpu.memory_space<vmem>>, %arg2: memref<512x1xi32, #tpu.memory_space<vmem>>, %arg3: memref<9216x1024xbf16, #tpu.memory_space<vmem>>, %arg4: memref<512x1024xf32, #tpu.memory_space<vmem>>) attributes {dimension_semantics = [#tpu.dimension_semantics<arbitrary>], iteration_bounds = array<i64: 8>, scalar_prefetch = 0 : i64, scratch_operands = 0 : i64, tpu.core_type = #tpu.core_type<tc>, window_params = [{transform_indices = @transform_0, window_bounds = array<i64: 512, 1>}, {transform_indices = @transform_1, window_bounds = array<i64: 512, 1>}, {pipeline_mode = #tpu.pipeline_mode<synchronous>, transform_indices = @transform_2, window_bounds = array<i64: 9216, 1024>}, {transform_indices = @transform_3, window_bounds = array<i64: 512, 1024>}]} {
    %get3A = arith.constant 0 : index
    %get3A_0 = arith.constant 0 : index
    %get3A_1 = vector.load %arg1[%get3A, %get3A_0] : memref<512x1xi32, #tpu.memory_space<vmem>>, vector<512x1xi32>
    %get3A_2 = arith.constant 0 : index
    %get3A_3 = arith.constant 0 : index
    %get3A_4 = vector.load %arg2[%get3A_2, %get3A_3] : memref<512x1xi32, #tpu.memory_space<vmem>>, vector<512x1xi32>
    %iota3A = tpu.iota {dimensions = array<i32: 1>} : vector<512x9216xi32>
    %eq3A = vector.broadcast %get3A_1 : vector<512x1xi32> to vector<512x9216xi32>
    %eq3A_5 = arith.cmpi eq, %iota3A, %eq3A : vector<512x9216xi32>
    %eq3A_6 = vector.broadcast %get3A_4 : vector<512x1xi32> to vector<512x9216xi32>
    %eq3A_7 = arith.cmpi eq, %iota3A, %eq3A_6 : vector<512x9216xi32>
    %or3A = arith.ori %eq3A_5, %eq3A_7 : vector<512x9216xi1>
    %convert_element_type3A = arith.extui %or3A : vector<512x9216xi1> to vector<512x9216xi32>
    %convert_element_type3A_8 = arith.sitofp %convert_element_type3A : vector<512x9216xi32> to vector<512x9216xf32>
    %convert_element_type3A_9 = arith.truncf %convert_element_type3A_8 : vector<512x9216xf32> to vector<512x9216xbf16>
    %get3A_10 = arith.constant 0 : index
    %get3A_11 = arith.constant 0 : index
    %get3A_12 = vector.load %arg3[%get3A_10, %get3A_11] : memref<9216x1024xbf16, #tpu.memory_space<vmem>>, vector<9216x1024xbf16>
    %dot_general3A = arith.constant dense<0.000000e+00> : vector<512x1024xf32>
    %dot_general3A_13 = tpu.matmul %convert_element_type3A_9, %get3A_12, %dot_general3A {dimension_numbers = #tpu.dot_dimension_numbers<[1], [0], [0], [1], [0, 0, 1, 1], [], []>, transpose_lhs_hint = false} : vector<512x9216xbf16>, vector<9216x1024xbf16>, vector<512x1024xf32> -> vector<512x1024xf32>
    %swap3A = arith.constant 0 : index
    %swap3A_14 = arith.constant 0 : index
    %swap3A_15 = vector.load %arg4[%swap3A, %swap3A_14] : memref<512x1024xf32, #tpu.memory_space<vmem>>, vector<512x1024xf32>
    tpu.vector_store %arg4[%swap3A, %swap3A_14], %dot_general3A_13 {strides = array<i32>} : memref<512x1024xf32, #tpu.memory_space<vmem>>, vector<512x1024xf32>,
    return
  }
  func.func @transform_0(%arg0: i32) -> (i32, i32) {
    %c0_i32 = arith.constant 0 : i32
    %c0_i32_0 = arith.constant 0 : i32
    return %arg0, %c0_i32 : i32, i32
  }
  func.func @transform_1(%arg0: i32) -> (i32, i32) {
    %c0_i32 = arith.constant 0 : i32
    %c0_i32_0 = arith.constant 0 : i32
    return %arg0, %c0_i32 : i32, i32
  }
  func.func @transform_2(%arg0: i32) -> (i32, i32) {
    %c0_i32 = arith.constant 0 : i32
    %c0_i32_0 = arith.constant 0 : i32
    %c0_i32_1 = arith.constant 0 : i32
    return %c0_i32, %c0_i32_0 : i32, i32
  }
  func.func @transform_3(%arg0: i32) -> (i32, i32) {
    %c0_i32 = arith.constant 0 : i32
    %c0_i32_0 = arith.constant 0 : i32
    return %arg0, %c0_i32 : i32, i32
  }
}

</mosaic_0001>

<sc_bundles>
// kernel: gather_offload_async_start
scs
__scs_entry_jumppad:
0x0: {  	(pc) =	sbr.rel $0x88, $3  }
0x1: {  	(tag) =	ssettag $0x0;
	lr =	simm.s32 $0x1  }
0x2: {  	[smem:$0x3F9C] =	sst lr;
	_ =	strace $0xD0000000  }
0x3: {  	_ = 	snop  }
0x4: {  	_ = 	snop  }
0x5: {  	_ = 	snop  }
0x6: {  	_ = 	snop  }
0x7: {  	_ = 	snop  }
__scs_overlays_trampoline_lowered:
0x8: {  	[smem:$0x3FAB] =	sst s0  }
0x9: {  	[smem:$0x3FAC] =	sst s1  }
0xa: {  	[smem:$0x3FAD] =	sst s2  }
0xb: {  	[smem:$0x3FAE] =	sst s3  }
0xc: {  	[smem:$0x3FAF] =	sst s4  }
0xd: {  	[smem:$0x3FB0] =	sst s5  }
0xe: {  	[smem:$0x3FB1] =	sst s6  }
0xf: {  	[smem:$0x3FB2] =	sst s7  }
0x10: {  	[smem:$0x3FB3] =	sst s8  }
0x11: {  	[smem:$0x3FB4] =	sst s9;
	s0 =	simm.s32 @!p0 $0x0  }
0x12: {  	s1 =	sld [smem:$0x3F9A];
	s0 =	simm.s32 @p0 $0x1  }
0x13: {  	[smem:$0x3FB5] =	sst s0;
	s0 =	simm.s32 @!p1 $0x0  }
0x14: {  	s2 =	sld [smem:$0x3F99];
	s0 =	simm.s32 @p1 $0x1  }
0x15: {  	[smem:$0x3FB6] =	sst s0;
	s0 =	simm.s32 @!p2 $0x0  }
0x16: {  	s3 =	sld [smem:$0x3FDB];
	s0 =	simm.s32 @p2 $0x1  }
0x17: {  	s4 =	simm.s32 $0x1BF5;
	[smem:$0x3FB8] =	sst s0  }
0x18: {  	s0 =	sld [smem:$0x3F9B];
	_ =	swait.ge [sflag:s4], $0x0  }
0x19: {  	s7 =	sld [smem:$0x3F9C]  }
0x1a: {  	s8 =	sadd.s32 $0xFFFFE003, lr  }
0x1b: {  	s9 =	sadd.s32 $0xFFFFFEF7, lr;
	s5 =	simm.s32 $0xFFFFFFFF;
	p2 =	slt.u32 s8, $0xFFFFF086  }
0x1c: {  	p1 =	slt.u32 s9, $0xF7A;
	s5 =	simm.s32 @!p2 $0x0  }
0x1d: {  	s5 =	simm.s32 @p1 $0x1;
	p0 =	seq.s32 s7, s2  }
0x1e: {  	s7 =	smul.u32 @!p0 $0xF7A, s2;
	p2 =	seq.s32 @!p0 s5, $0x0  }
0x1f: {  	s9 =	smul.u32 $0xF7A, s1;
	s8 =	simm.s32 @!p0 $0x1BF5;
	p2 =	por !p2, p0  }
0x20: {  	[sflag:s8] =	ssyncset.s32 @!p0 $0xFFFFF086;
	s6 =	sadd.s32 @!p0 s3, s7;
	s7 =	simm.s32 @!p0 $0x108  }
0x21: {  	s3 =	sadd.s32 s3, s9;
	s6 =	sadd.s32 @!p0 $0x88, s6;
	s7 =	simm.s32 @p2 $0x1082  }
0x22: {  	[simem:s7], [sflag:s8] =	dma.local @!p0 [hbm:s6], $0xF7A  }
0x23: {  	s9 =	sor.u32 $0xD0000000, s2;
	s6 =	simm.s32 $0x108;
	_ =	swait.ge @!p0 [sflag:s8], $0x0  }
0x24: {  	s3 =	sadd.s32 $0x88, s3;
	s6 =	simm.s32 @!p1 $0x1082;
	[sflag:s4] =	ssyncset.s32 $0xFFFFF086  }
0x25: {  	[simem:s6], [sflag:s4] =	dma.local [hbm:s3], $0xF7A  }
0x26: {  	[smem:$0x3F9C] =	sst s1;
	(tag) =	ssettag s2;
	_ =	strace s9  }
0x27: {  	s1 =	sld [smem:$0x3FAC]  }
0x28: {  	s2 =	sld [smem:$0x3FAD]  }
0x29: {  	s4 =	sld [smem:$0x3FAF]  }
0x2a: {  	p0 =	seq.s32 s5, $0x0;
	s5 =	sld [smem:$0x3FB0]  }
0x2b: {  	s6 =	sld [smem:$0x3FB1]  }
0x2c: {  	s7 =	sld [smem:$0x3FB2]  }
0x2d: {  	s3 =	simm.s32 $0x108;
	s8 =	sld [smem:$0x3FB3]  }
0x2e: {  	s3 =	simm.s32 @!p0 $0x1082;
	s9 =	sld [smem:$0x3FB4]  }
0x2f: {  	lr =	sadd.s32 s0, s3;
	s0 =	sld [smem:$0x3FAB]  }
0x30: {  	s3 =	sld [smem:$0x3FAE]  }
0x31: {  	[smem:$0x3FB7] =	sst s10  }
0x32: {  	s10 =	sld [smem:$0x3FB5];
	_ =	sdelay $0x3  }
0x33: {  	p0 =	seq.s32 s10, $0x1;
	s10 =	sld [smem:$0x3FB7];
	_ =	sdelay $0x3  }
0x34: {  	[smem:$0x3FB7] =	sst s10  }
0x35: {  	s10 =	sld [smem:$0x3FB6];
	_ =	sdelay $0x3  }
0x36: {  	p1 =	seq.s32 s10, $0x1;
	s10 =	sld [smem:$0x3FB7];
	_ =	sdelay $0x3  }
0x37: {  	[smem:$0x3FB7] =	sst s10  }
0x38: {  	s10 =	sld [smem:$0x3FB8]  }
0x39: {  	_ = 	snop;
	(pc) =	sbr.ind lr, $3  }
0x3a: {  	_ = 	snop  }
0x3b: {  	_ = 	snop  }
0x3c: {  	p2 =	seq.s32 s10, $0x1;
	s10 =	sld [smem:$0x3FB7]  }
0x3d: {  	_ =	shalt  }
0x3e: {  	_ =	shalt  }
0x3f: {  	_ =	shalt  }
0x40: {  	_ =	shalt  }
0x41: {  	_ =	shalt  }
0x42: {  	_ =	shalt  }
0x43: {  	_ =	shalt  }
0x44: {  	_ =	shalt  }
0x45: {  	_ =	shalt  }
0x46: {  	_ =	shalt  }
0x47: {  	_ =	shalt  }
0x48: {  	_ =	shalt  }
0x49: {  	_ =	shalt  }
0x4a: {  	_ =	shalt  }
0x4b: {  	_ =	shalt  }
0x4c: {  	_ =	shalt  }
0x4d: {  	_ =	shalt  }
0x4e: {  	_ =	shalt  }
0x4f: {  	_ =	shalt  }
0x50: {  	_ =	shalt  }
0x51: {  	_ =	shalt  }
0x52: {  	_ =	shalt  }
0x53: {  	_ =	shalt  }
0x54: {  	_ =	shalt  }
0x55: {  	_ =	shalt  }
0x56: {  	_ =	shalt  }
0x57: {  	_ =	shalt  }
0x58: {  	_ =	shalt  }
0x59: {  	_ =	shalt  }
0x5a: {  	_ =	shalt  }
0x5b: {  	_ =	shalt  }
0x5c: {  	_ =	shalt  }
0x5d: {  	_ =	shalt  }
0x5e: {  	_ =	shalt  }
0x5f: {  	_ =	shalt  }
0x60: {  	_ =	shalt  }
0x61: {  	_ =	shalt  }
0x62: {  	_ =	shalt  }
0x63: {  	_ =	shalt  }
0x64: {  	_ =	shalt  }
0x65: {  	_ =	shalt  }
0x66: {  	_ =	shalt  }
0x67: {  	_ =	shalt  }
0x68: {  	_ =	shalt  }
0x69: {  	_ =	shalt  }
0x6a: {  	_ =	shalt  }
0x6b: {  	_ =	shalt  }
0x6c: {  	_ =	shalt  }
0x6d: {  	_ =	shalt  }
0x6e: {  	_ =	shalt  }
0x6f: {  	_ =	shalt  }
0x70: {  	_ =	shalt  }
0x71: {  	_ =	shalt  }
0x72: {  	_ =	shalt  }
0x73: {  	_ =	shalt  }
0x74: {  	_ =	shalt  }
0x75: {  	_ =	shalt  }
0x76: {  	_ =	shalt  }
0x77: {  	_ =	shalt  }
0x78: {  	_ =	shalt  }
0x79: {  	_ =	shalt  }
0x7a: {  	_ =	shalt  }
0x7b: {  	_ =	shalt  }
0x7c: {  	_ =	shalt  }
0x7d: {  	_ =	shalt  }
0x7e: {  	_ =	shalt  }
0x7f: {  	_ =	shalt  }
0x80: {  	_ =	shalt  }
0x81: {  	_ =	shalt  }
0x82: {  	_ =	shalt  }
0x83: {  	_ =	shalt  }
0x84: {  	_ =	shalt  }
0x85: {  	_ =	shalt  }
0x86: {  	_ =	shalt  }
0x87: {  	_ =	shalt  }
.Lfunc_end0:
.L_simem_size_0:
called_computation_lowered:
.L_overlay_start_0:
0x88: {  	s2 =	sld [smem:$0x3FD9]  }
0x89: {  	s3 =	sld [smem:$0x3FFE];
	_ =	sdelay $0x1  }
0x8a: {  	s1 =	srdreg.scid  }
0x8b: {  	s0 =	sand.u32 $0x1, s1  }
0x8c: {  	s16 =	sshll.u32 s0, $0xA;
	s2 =	sadd.s32 s3, s2  }
0x8d: {  	s2 =	sadd.s32 s2, s16  }
0x8e: {  	[smem:$0x3FC3] =	sst s2  }
0x8f: {  	_ = 	snop  }
0x90: {  	(tm) =	ssettm $0x1  }
0x91: {  	s17 =	sld [smem:$0x3FFB];
	_ =	sdelay $0x3  }
0x92: {  	_ =	strace s17  }
0x93: {  	s2 =	sld [smem:$0x3FFC];
	_ =	sdelay $0x3  }
0x94: {  	_ =	strace s2  }
0x95: {  	s2 =	sld [smem:$0x3FFD];
	_ =	sdelay $0x3  }
0x96: {  	_ =	strace s2  }
0x97: {  	_ =	strace $0x8FFFFFFF  }
0x98: {  	s18 =	sld [smem:$0x3FDB];
	_ =	sdelay $0x1  }
0x99: {  	s19 =	simm.s32 $_scs_section_size  }
0x9a: {  	s4 =	simm.s32 $_size__tile_overlayer_lowered;
	s5 =	simm.s32 $_tile_overlayer_lowered  }
0x9b: {  	s22 =	simm.s32 $0x1BFF;
	s21 =	sshll.u32 s5, $0x1;
	s2 =	sadd.s32 s19, s18  }
0x9c: {  	s6 =	simm.s32 $0x0;
	s20 =	sshll.u32 s4, $0x1;
	s4 =	sadd.s32 s21, s2  }
0x9d: {  	[timem:s6], [sflag:s22] =	dma.local [hbm:s4], s20  }
0x9e: {  	_ =	swait.ge [sflag:s22], s20  }
0x9f: {  	s3 =	ssub.s32 $0x0, s20;
	[sflag:s22] =	ssyncset.done $0x0  }
0xa0: {  	[sflag:s22] =	ssyncadd.s32 s3;
	_ =	sdelay $0x1  }
0xa1: {  	s23 =	simm.s32 $0x1B8B  }
0xa2: {  	_ =	swait.ge [sflag:s23], $0x1  }
0xa3: {  	[sflag:s23] =	ssyncset.done $0x0  }
0xa4: {  	s25 =	simm.s32 $0x1B8E;
	s24 =	sld [smem:$0x3FFE];
	[sflag:s23] =	ssyncadd.s32 $0xFFFFFFFF  }
0xa5: {  	s26 =	simm.s32 $execute0_lowered;
	[smem:$0x3FD2] =	sst s25  }
0xa6: {  	s4 =	sshll.u32 s26, $0x1;
	_ =	strace $0x80000046;
	[dreg:$0x1] =	wrdreg $0xFFFFFFFF  }
0xa7: {  	s28 =	simm.s32 $_size_execute0_lowered;
	s2 =	sadd.s32 s2, s4;
	[dreg:$0x0] =	wrdreg $0x0  }
0xa8: {  	s4 =	sshll.u32 s28, $0x1;
	[dreg:$0x2] =	wrdreg s2  }
0xa9: {  	[dreg:$0x3] =	wrdreg s4  }
0xaa: {  	[dreg:$0x4] =	wrdreg $0xC0  }
0xab: {  	_ =	task [dreg:s6], $0x5FFFF  }
0xac: {  	[dreg:$0x1] =	wrdreg $0xFFFFFFFF  }
0xad: {  	[dreg:$0x0] =	wrdreg $0x60  }
0xae: {  	[dreg:$0x2] =	wrdreg s24  }
0xaf: {  	[dreg:$0x3] =	wrdreg $0x9  }
0xb0: {  	_ =	task.clear_ibuf [dreg:s6], $0x4FFFF;
	_ =	strace $0x90000046  }
0xb1: {  	s29 =	simm.s32 $0x9;
	_ =	strace $0x80000048  }
0xb2: {  	_ =	swait.ge [sflag:s29], $0x1  }
0xb3: {  	[sflag:s29] =	ssyncadd.s32 $0xFFFFFFFF  }
0xb4: {  	_ =	strace $0x90000048  }
0xb5: {  	_ =	sfence  }
0xb6: {  	s30 =	sld [smem:$0x0];
	_ =	sdelay $0x2  }
0xb7: {  	s31 =	sshll.u32 s1, $0xD;
	s1 =	sshrl.u32 s1, $0x2  }
0xb8: {  	s3 =	sand.u32 $0x4000, s31;
	s1 =	sadd.s32 s1, s30  }
0xb9: {  	s0 =	sor.u32 s3, s0;
	s1 =	sshll.u32 s1, $0x11  }
0xba: {  	s0 =	sor.u32 s1, s0  }
0xbb: {  	s0 =	sadd.s32 $0x8F2B, s0  }
0xbc: {  	[sflag:s0] =	ssyncadd.remote.s32 $0x1  }
0xbd: {  	_ =	sfence.sel $0xFFFF  }
0xbe: {  	[dreg:$0x0] =	wrdreg $0xFFFFFFFF;
	(pc) =	sbr.abs _section_cstart, $3  }
0xbf: {  	[dreg:$0x1] =	wrdreg $0xFFFFFFFF  }
0xc0: {  	_ =	task.clear_ibuf [dreg:s6], $0x2FFFF;
	_ =	strace $0x9FFFFFFF  }
0xc1: {  	(tm) =	ssettm $0x7FFFFFFF  }
tec
execute0_lowered:
.L_overlay_start_1:
0x0: {  	(tag) =	ssettag $0x1  }
0x1: {  	s0 =	srdreg.scid;
	s5 =	rddreg [dreg:$0x0]  }
0x2: {  	s1 =	stileid.u32;
	s6 =	simm.s32 $0x1;
	s9 =	simm.s32 $0x1  }
0x3: {  	s10 =	simm.s32 $0x3;
	s13 =	simm.s32 $0x0;
	s2 =	sshll.u32 s0, $0x7  }
0x4: {  	s12 =	simm.s32 $0x0;
	s3 =	sshll.u32 s1, $0x8;
	s2 =	sand.u32 $0x80, s2  }
0x5: {  	s0 =	rddreg [dreg:$0x1];
	_ =	strace $0x80000047;
	s2 =	sor.u32 s3, s2  }
0x6: {  	s4 =	sadd.s32 $0x21C00, s5;
	[sflag:s6] =	ssyncpa.u1 $0x0;
	s8 =	ssub.s32 $0x2000, s2  }
.Ltmp0:
0x7: {  	s3 =	sadd.s32 $0x1A00, s5;
	s7 =	sand.u32 $0xF80, s8;
	(pc) =	sbr.rel .LBB2_1-.Ltmp0, $4  }
0x8: {  	s5 =	sadd.s32 $0x623600, s5;
	s11 =	smov.u32 s2;
	p0 =	sne.s32 s7, $0x0  }
0x9: {  	s8 =	sshrl.u32 s8, $0xC;
	s7 =	simm.s32 $0x2;
	s9 =	simm.s32 @!p0 $0x0  }
0xa: {  	[sflag:s7] =	ssyncpa.u1 $0x0;
	p0 =	por $0x0, $0x0;
	s8 =	sadd.s32 s9, s8  }
0xb: {  	vm0 =	vmmov $0xffff;
	[sflag:s10] =	ssyncpa.u1 $0x0;
	s10 =	simm.s32 $0x0;
	s9 =	sadd.s32 $0x1, s8  }
.LBB2_4:
0xc: {  	v5 =	vshrl.u32 v1, $0xD;
	v6 =	vshll.u32 v1, $0x7  }
0xd: {  	vm1 =	veq.s32 v1, $0x80000000;
	v58 =	vand.u32 $0x7, v5;
	v59 =	vand.u32 $0xFFF80, v6  }
0xe: {  	v1 =	vsel vm1, $0xFFFFFFFF, v58;
	v5 =	vsel vm1, $0xFFFFFF80, v59  }
0xf: {  	v3 =	vor.u32 v4, v3;
	v60 =	vand.u32 $0xFFFFFC00, v5;
	v61 =	vand.u32 $0xFFFFFC00, v1  }
0x10: {  	v2 =	vor.u32 v2, v3;
	v63 =	vand.u32 $0x380, v5;
	v62 =	vadd.s32 v61, v60  }
0x11: {  	v1 =	vand.u32 $0x7F, v1;
	v3 =	vor.u32 v63, v62  }
0x12: {  	v1 =	vor.u32 v1, v3  }
0x13: {  	[tilespmem:s15], [sflag:$0x1] =	stream.indirect_vreg.gather [hbm4b:s3+s10], $0x1, v0, vm0, $0x4038;
	[tilespmem:$0x200] =	vst v63  }
0x14: {  	(ifvalue) =	ssetifvalue $0x7FFFFFFF  }
0x15: {  	[tilespmem:s16], [sflag:$0x1] =	stream.indirect_vreg.gather [hbm4b:s3+s10], $0x1, v2, vm0, $0x4038;
	[tilespmem:$0x200] =	vst v63  }
0x16: {  	s29 =	sadd.s32 $0x10, s16;
	(ifvalue) =	ssetifvalue $0x7FFFFFFF  }
0x17: {  	[tilespmem:s29], [sflag:$0x1] =	stream.indirect_vreg.gather [hbm4b:s3+s10], $0x1, v1, vm0, $0x4038;
	[tilespmem:$0x200] =	vst v63  }
0x18: {  	_ =	swait.ge [sflag:s6], $0x80  }
0x19: {  	s30 =	sshrl.u32 s13, $0x3;
	[sflag:s6] =	ssyncset.done $0x0  }
0x1a: {  	s31 =	sand.u32 $0x7, s13;
	s15 =	sadd.s32 s5, s30;
	[sflag:s6] =	ssyncadd.s32 $0xFFFFFF80  }
0x1b: {  	[hbm4b:s15+s31] =	stream.linear.scatter [tilespmem:s14], [sflag:$0x3], $0x80, $0x38;
	[tilespmem:$0x200] =	vst v63  }
.LBB2_5:
0x1c: {  	s15 =	sadd.s32 $0x1000, s11  }
0x1d: {  	p2 =	sgt.s32 s15, $0x1FFF  }
0x1e: {  	s15 =	smov.u32 @p2 s2;
	p2 =	sne.s32 s12, s9  }
.Ltmp1:
0x1f: {  	p1 =	slt.u32 s12, $0x2;
	(pc) =	sbr.rel @!p2 .LBB2_6-.Ltmp1, $4  }
0x20: {  	s14 =	simm.s32 @!p1 $0x3  }
0x21: {  	s16 =	sadd.s32 $0x1, s12;
	_ =	swait.ge @!p1 [sflag:s14], $0x80  }
0x22: {  	s13 =	smov.u32 s11;
	p0 =	por !p0, !p0;
	[sflag:s14] =	ssyncset.done @!p1 $0x0  }
0x23: {  	s12 =	smov.u32 s16;
	s11 =	smov.u32 s15;
	[sflag:s14] =	ssyncadd.s32 @!p1 $0xFFFFFF80  }
.LBB2_1:
0x24: {  	p1 =	sge.u32 s12, s8  }
0x25: {  	s14 =	sxor.u32 @!p1 $0xFFFFFFFF, s12  }
0x26: {  	s31 =	sadd.s32 $0xFFFFFFFF, s12;
	s15 =	sshrl.u32 @!p1 s11, $0x3;
	s14 =	sshll.u32 @!p1 s14, $0x7  }
0x27: {  	s16 =	sand.u32 @!p1 $0x7, s11;
	s15 =	sadd.s32 @!p1 s4, s15;
	s14 =	sand.u32 @!p1 $0x80, s14  }
0x28: {  	[tilespmem:s14], [sflag:$0x2] =	stream.linear.gather @!p1 [hbm4b:s15+s16], $0x80, $0x38;
	[tilespmem:$0x200] =	vst v63  }
0x29: {  	p1 =	sge.u32 s31, s8  }
.Ltmp2:
0x2a: {  	_ = 	snop;
	(pc) =	sbr.rel @p1 .LBB2_5-.Ltmp2, $1  }
0x2b: {  	_ =	sdelay $0x3  }
0x2c: {  	s14 =	simm.s32 $0x1  }
0x2d: {  	_ =	swait.ge [sflag:s7], $0x80;
	s14 =	simm.s32 @!p0 $0x0  }
0x2e: {  	[sflag:s7] =	ssyncset.done $0x0;
	s14 =	sshll.u32 s14, $0x7  }
0x2f: {  	[sflag:s7] =	ssyncadd.s32 $0xFFFFFF80;
	(ifvalue) =	ssetifvalue $0x7FFFFFFF;
	v0 =	vld.msk [tilespmem:s14+$0x0 ss:$0x1], $0xffff;
	_ =	sdelay $0x4  }
0x30: {  	s15 =	sadd.s32 $0x10, s14;
	v2 =	vshrl.u32 v0, $0xD;
	v3 =	vshll.u32 v0, $0x7  }
0x31: {  	v1 =	vld.msk [tilespmem:s15+$0x0 ss:$0x1], $0xffff;
	vm1 =	veq.s32 v0, $0x80000000;
	v0 =	vand.u32 $0x7, v2;
	v2 =	vand.u32 $0xFFF80, v3  }
0x32: {  	v0 =	vsel vm1, $0xFFFFFFFF, v0;
	v2 =	vsel vm1, $0xFFFFFF80, v2  }
0x33: {  	v3 =	vand.u32 $0xFFFFFC00, v2;
	v4 =	vand.u32 $0xFFFFFC00, v0  }
0x34: {  	v2 =	vand.u32 $0x380, v2;
	v3 =	vadd.s32 v4, v3  }
0x35: {  	v0 =	vand.u32 $0x7F, v0;
	v2 =	vor.u32 v2, v3  }
0x36: {  	v5 =	vshll.u32 v1, $0x7;
	v4 =	vshrl.u32 v1, $0xD;
	v0 =	vor.u32 v0, v2  }
0x37: {  	s16 =	sshll.u32 s12, $0x7;
	vm1 =	veq.s32 v1, $0x80000000;
	v1 =	vand.u32 $0x7, v4;
	v4 =	vand.u32 $0xFFF80, v5  }
0x38: {  	s16 =	sand.u32 $0x80, s16;
	s18 =	sadd.s32 $0x10, s15;
	v3 =	vsel vm1, $0xFFFFFFFF, v1;
	v4 =	vsel vm1, $0xFFFFFF80, v4  }
0x39: {  	s17 =	simm.s32 $0x20;
	s15 =	sor.u32 $0x100, s14;
	s14 =	sor.u32 $0x100, s16;
	v1 =	vld.msk [tilespmem:s18+$0x0 ss:$0x1], $0xffff;
	v5 =	vand.u32 $0xFFFFFC00, v4;
	v6 =	vand.u32 $0xFFFFFC00, v3  }
0x3a: {  	s16 =	sadd.s32 $0x10, s15;
	s18 =	sadd.s32 $0x10, s18;
	(ifvalue) =	ssetifvalue $0x7FFFFFFF;
	v2 =	vand.u32 $0x7F, v3;
	v4 =	vand.u32 $0x380, v4;
	v3 =	vadd.s32 v6, v5  }
.LBB2_3:
0x3b: {  	[tilespmem:s15], [sflag:$0x1] =	stream.indirect_vreg.gather [hbm4b:s3+s10], $0x1, v0, vm0, $0x4038;
	[tilespmem:$0x200] =	vst v63  }
0x3c: {  	s17 =	sadd.s32 $0x10, s17  }
0x3d: {  	v3 =	vor.u32 v4, v3;
	p1 =	slt.u32 s17, $0x70  }
.Ltmp3:
0x3e: {  	v4 =	vshrl.u32 v1, $0xD;
	v5 =	vshll.u32 v1, $0x7;
	s15 =	smov.u32 s16;
	v0 =	vor.u32 v2, v3;
	v2 =	vmovc v1;
	v1 =	vld.msk [tilespmem:s18+$0x0 ss:$0x1], $0xffff;
	(pc) =	sbr.rel @p1 .LBB2_3-.Ltmp3, $4  }
0x3f: {  	v3 =	vand.u32 $0xFFF80, v5;
	vm1 =	veq.s32 v2, $0x80000000;
	v2 =	vand.u32 $0x7, v4  }
0x40: {  	v4 =	vsel vm1, $0xFFFFFFFF, v2;
	v5 =	vsel vm1, $0xFFFFFF80, v3  }
0x41: {  	v2 =	vand.u32 $0x7F, v4;
	v3 =	vand.u32 $0xFFFFFC00, v5;
	v4 =	vand.u32 $0xFFFFFC00, v4  }
0x42: {  	s16 =	sadd.s32 $0x10, s16;
	s18 =	sadd.s32 $0x10, s18;
	v3 =	vadd.s32 v4, v3;
	v4 =	vand.u32 $0x380, v5;
	(ifvalue) =	ssetifvalue $0x7FFFFFFF  }
.Ltmp4:
0x43: {  	_ = 	snop;
	(pc) =	sbr.rel .LBB2_4-.Ltmp4, $1  }
0x44: {  	_ =	sdelay $0x3  }
.LBB2_6:
0x45: {  	_ =	sfence.sel $0x180000  }
0x46: {  	s2 =	simm.s32 $0x2;
	[bflag:$0x0] =	sbarrier.arrive $0xFFFF  }
0x47: {  	s30 =	simm.s32 $0x3;
	[sflag:s2] =	ssyncpa.u1 $0x1  }
0x48: {  	s31 =	simm.s32 $0x1;
	[sflag:s30] =	ssyncpa.u1 $0x1  }
0x49: {  	[sflag:s31] =	ssyncpa.u1 $0x1  }
0x4a: {  	p0 =	sne.s32 s1, $0x0;
	_ =	strace $0x90000047  }
0x4b: {  	s0 =	sadd.s32 @!p0 $0x100000, s0;
	[bflag:$0x2] =	sbarrier.arrive $0xFFFF  }
0x4c: {  	[sflag:s0] =	ssyncadd.tile.s32 @!p0 $0x1;
	_ =	shalt  }
.Lfunc_end2:
_tile_overlayer_lowered:
.L_overlay_start_2:
0x4d: {  	(tag) =	ssettag $0x2  }
0x4e: {  	s0 =	rddreg [dreg:$0x0];
	s2 =	stileid.u32  }
0x4f: {  	s1 =	rddreg [dreg:$0x1];
	p0 =	sne.s32 s2, $0x0  }
0x50: {  	s3 =	rddreg [dreg:$0x2];
	[bflag:$0x3] =	sbarrier.arrive $0xFFFF;
	s2 =	simm.s32 @!p0 $0x1C01  }
0x51: {  	[timem:s3], [sflag:s2] =	dma.local @!p0 [hbm:s0], s1  }
0x52: {  	s0 =	simm.s32 @!p0 $0x1  }
0x53: {  	_ =	swait.ge @!p0 [sflag:s0], s1  }
0x54: {  	s1 =	ssub.s32 @!p0 $0x0, s1;
	[sflag:s0] =	ssyncset.done @!p0 $0x0  }
0x55: {  	[sflag:s0] =	ssyncadd.s32 @!p0 s1  }
0x56: {  	[bflag:$0x3] =	sbarrier.arrive $0xFFFF  }
0x57: {  	_ =	shalt  }

</sc_bundles>
